<compile_context>
chip_gen: v7x
topology: tpu7x:2x2x1
jax: 0.10.2.dev20260603
libtpu: 0.0.44.dev20260713+nightly
codegen_flags: <defaults>
</compile_context>

<pallas_src>
import jax
import jax.numpy as jnp
from jax.experimental import pallas as pl
from jax.experimental.pallas import tpu as pltpu

PATCH = 16
KTOP = 100
KPAD = 128
N = 1024
HD = 32
BIG = HD * HD + 2


def _dense_body(feats_ref, w_ref, sim_ref, v0_ref, act_ref):
    f32 = jnp.float32
    feats = feats_ref[...]
    w = w_ref[...]
    out = jax.lax.dot_general(
        feats, w, (((1,), (0,)), ((), ())),
        precision=jax.lax.Precision.DEFAULT, preferred_element_type=f32)
    sim = jax.lax.dot_general(
        out, out, (((1,), (1,)), ((), ())),
        precision=jax.lax.Precision.DEFAULT, preferred_element_type=f32)
    sim_ref[...] = sim

    iota_r = jax.lax.broadcasted_iota(jnp.int32, (N, N), 0)
    iota_c = jax.lax.broadcasted_iota(jnp.int32, (N, N), 1)
    lane = jax.lax.broadcasted_iota(jnp.int32, (1, N), 1)

    degrees = jnp.sum((sim >= 0).astype(jnp.int32), axis=0, keepdims=True)
    dmin = jnp.min(degrees)
    seed = jnp.min(jnp.where(degrees == dmin, lane, N))

    srow = jnp.sum(jnp.where(iota_r == seed, sim, 0.0), axis=0, keepdims=True)
    eye = iota_r == iota_c
    xcol = jnp.sum(jnp.where(eye, jnp.broadcast_to(srow, (N, N)), 0.0),
                   axis=1, keepdims=True)

    xi = jnp.broadcast_to(xcol, (N, N))
    xj = jnp.broadcast_to(srow, (N, N))
    gt = (xi > xj).astype(jnp.int32)
    eqlt = ((xi == xj) & (iota_r < iota_c)).astype(jnp.int32)
    rank = jnp.sum(gt + eqlt, axis=0, keepdims=True)

    member = (srow >= 0) | (lane == seed)
    v0row = jnp.where((rank < KTOP) & member, 1, 0)
    v0_ref[...] = v0row

    v0col = jnp.sum(jnp.where(eye, jnp.broadcast_to(v0row, (N, N)), 0),
                    axis=1, keepdims=True)
    v0col_b = jnp.broadcast_to(v0col, (N, N)) != 0
    pos_row = jnp.sum(((iota_r < iota_c) & v0col_b).astype(jnp.int32),
                      axis=0, keepdims=True)
    pos_col = jnp.sum(jnp.where(eye, jnp.broadcast_to(pos_row, (N, N)), 0),
                      axis=1, keepdims=True)
    kiota = jax.lax.broadcasted_iota(jnp.int32, (N, KPAD), 1)
    riota = jax.lax.broadcasted_iota(jnp.int32, (N, KPAD), 0)
    match = (jnp.broadcast_to(pos_col, (N, KPAD)) == kiota) & \
            (jnp.broadcast_to(v0col, (N, KPAD)) != 0)
    a_row = jnp.sum(jnp.where(match, riota, 0), axis=0, keepdims=True)
    lane_k = jax.lax.broadcasted_iota(jnp.int32, (1, KPAD), 1)
    cnt = jnp.sum(v0row)
    act_ref[...] = jnp.where(lane_k == KPAD - 1, cnt, a_row)


def _seq_body(act_ref, sim_ref, v0_ref, out_ref, v_ref, tmp_ref):
    lane = jax.lax.broadcasted_iota(jnp.int32, (1, N), 1)
    v_ref[...] = (v0_ref[...] != 0).astype(jnp.float32)
    cnt = act_ref[KPAD - 1]

    def step(k, carry):
        i = act_ref[k]
        row = sim_ref[pl.ds(i, 1), :]
        v = v_ref[...]
        s = jnp.sum(row * v, keepdims=True)
        keepf = jnp.where(s > 0.0, 1.0, 0.0)
        v_ref[...] = jnp.where(lane == i, v * keepf, v)
        return carry

    jax.lax.fori_loop(0, cnt, step, 0)

    mask = v_ref[...] > 0.0
    init = jnp.where(mask, lane + 1, 0)
    cfirst = (lane % HD) == 0
    clast = (lane % HD) == (HD - 1)
    bigv = jnp.full((1, N), BIG, jnp.int32)

    def cc_body(_, lab):
        l = jnp.where(mask, lab, BIG)
        tmp_ref[...] = bigv
        tmp_ref[:, HD:] = l[:, : N - HD]
        up = tmp_ref[...]
        tmp_ref[...] = bigv
        tmp_ref[:, : N - HD] = l[:, HD:]
        down = tmp_ref[...]
        tmp_ref[...] = bigv
        tmp_ref[:, 1:] = l[:, : N - 1]
        left = jnp.where(cfirst, BIG, tmp_ref[...])
        tmp_ref[...] = bigv
        tmp_ref[:, : N - 1] = l[:, 1:]
        right = jnp.where(clast, BIG, tmp_ref[...])
        m = jnp.minimum(jnp.minimum(l, up),
                        jnp.minimum(left, jnp.minimum(right, down)))
        return jnp.where(mask, m, 0)

    out_ref[...] = jax.lax.fori_loop(0, 2 * HD, cc_body, init)


def _patch_feats(img):
    B, C, H, W_ = img.shape
    Hd, Wd = H // PATCH, W_ // PATCH
    x = img.reshape(B, C, Hd, PATCH, Wd, PATCH)
    x = jnp.transpose(x, (0, 2, 4, 3, 5, 1))
    return x.reshape(B, Hd * Wd, PATCH * PATCH * C)[0]


def _lost_call(feats, W, interpret=False):
    sim, v0, act = pl.pallas_call(
        _dense_body,
        out_shape=(
            jax.ShapeDtypeStruct((N, N), jnp.float32),
            jax.ShapeDtypeStruct((1, N), jnp.int32),
            jax.ShapeDtypeStruct((1, KPAD), jnp.int32),
        ),
        interpret=interpret,
    )(feats, W)

    labels = pl.pallas_call(
        _seq_body,
        out_shape=jax.ShapeDtypeStruct((1, N), jnp.int32),
        in_specs=[
            pl.BlockSpec(memory_space=pltpu.SMEM),
            pl.BlockSpec(memory_space=pltpu.VMEM),
            pl.BlockSpec(memory_space=pltpu.VMEM),
        ],
        scratch_shapes=[
            pltpu.VMEM((1, N), jnp.float32),
            pltpu.VMEM((1, N), jnp.int32),
        ],
        interpret=interpret,
    )(act.reshape(KPAD), sim, v0)
    return labels


def kernel(img, W):
    return _probe_patchify3(img, W)


def _patch_feats3(img):
    import numpy as _np
    hd = _np.arange(HD)[:, None, None, None, None]
    wd = _np.arange(HD)[None, :, None, None, None]
    p1 = _np.arange(PATCH)[None, None, :, None, None]
    p2 = _np.arange(PATCH)[None, None, None, :, None]
    c = _np.arange(3)[None, None, None, None, :]
    idx = c * 512 * 512 + (hd * PATCH + p1) * 512 + (wd * PATCH + p2)
    idx = jnp.asarray(idx.reshape(N, 768), dtype=jnp.int32)
    return jnp.take(img.reshape(-1), idx)


def _probe_patchify3(img, W):
    feats = _patch_feats3(img)

    def body(f_ref, o_ref):
        o_ref[...] = jnp.sum(f_ref[...], axis=1, keepdims=True)

    s = pl.pallas_call(
        body, out_shape=jax.ShapeDtypeStruct((N, 1), jnp.float32))(feats)
    return jnp.broadcast_to(s.reshape(HD, HD), (HD, HD)).astype(jnp.int32)


def _patch_feats2(img):
    chans = []
    for c in range(3):
        f = img[0, c].reshape(HD, PATCH, HD, PATCH)
        f = jnp.transpose(f, (0, 2, 1, 3)).reshape(N, PATCH * PATCH)
        chans.append(f)
    return jnp.stack(chans, axis=-1).reshape(N, PATCH * PATCH * 3)


def _probe_patchify2(img, W):
    feats = _patch_feats2(img)

    def body(f_ref, o_ref):
        o_ref[...] = jnp.sum(f_ref[...], axis=1, keepdims=True)

    s = pl.pallas_call(
        body, out_shape=jax.ShapeDtypeStruct((N, 1), jnp.float32))(feats)
    return jnp.broadcast_to(s.reshape(HD, HD), (HD, HD)).astype(jnp.int32)


def _probe_noop(img, W):
    x = img.reshape(3, 512 * 512)[:, : N]

    def body(f_ref, o_ref):
        o_ref[...] = jnp.sum(f_ref[...], axis=0, keepdims=True)

    s = pl.pallas_call(
        body, out_shape=jax.ShapeDtypeStruct((1, N), jnp.float32))(x)
    return s.reshape(HD, HD).astype(jnp.int32)


def _probe_patchify_only(img, W):
    feats = _patch_feats(img)

    def body(f_ref, o_ref):
        o_ref[...] = jnp.sum(f_ref[...], axis=1, keepdims=True)

    s = pl.pallas_call(
        body, out_shape=jax.ShapeDtypeStruct((N, 1), jnp.float32))(feats)
    return jnp.broadcast_to(s.reshape(HD, HD), (HD, HD)).astype(jnp.int32)


def _real_kernel(img, W):
    feats = _patch_feats(img)
    labels = _lost_call(feats, W)
    return labels.reshape(HD, HD)


def _probe_dense_only(img, W):
    feats = _patch_feats(img)
    sim, v0, act = pl.pallas_call(
        _dense_body,
        out_shape=(
            jax.ShapeDtypeStruct((N, N), jnp.float32),
            jax.ShapeDtypeStruct((1, N), jnp.int32),
            jax.ShapeDtypeStruct((1, KPAD), jnp.int32),
        ),
    )(feats, W)
    return v0.reshape(HD, HD)

# --- scband reference (transcript-rebuilt; emitter-appended) ---
"""Pipeline reference for scband-lost-14121852469570 (READ-ONLY COPY).

The authoritative reference and input builder live on the scoring server;
editing this copy changes nothing except your own understanding.
"""

import jax, jax.numpy as jnp
import numpy as np

PATCH = 16
K = 100

def _patchify(img):
    B, C, H, W = img.shape
    Hd, Wd = H // PATCH, W // PATCH
    x = img.reshape(B, C, Hd, PATCH, Wd, PATCH)
    x = jnp.transpose(x, (0, 2, 4, 3, 5, 1))
    x = x.reshape(B, Hd * Wd, PATCH * PATCH * C)
    return x

def _lost_forward(img, W):
    Hd, Wd = img.shape[2] // PATCH, img.shape[3] // PATCH
    # abstracted DINO backbone: patch embedding producing per-patch features
    feats = _patchify(img)[0]            # [N, 768]
    out = feats @ W                      # [N, 384]  (out = out[1:] in original, cls dropped)
    similarity_matrix = out @ out.T      # [N, N]
    degree_matrix = (similarity_matrix >= 0)
    seed = jnp.argmin(degree_matrix.sum(axis=0))
    set_seed = degree_matrix[seed].astype(jnp.int32)
    set_seed = set_seed.at[seed].set(1)  # torch: =255 on bool -> True
    ordered_set_seed = jnp.argsort(-similarity_matrix[seed])  # descending
    set_seed = set_seed.at[ordered_set_seed[K:]].set(0)
    N = similarity_matrix.shape[0]

    def body(i, ss):
        active = ss[i] != 0
        s = jnp.sum(jnp.where(ss == 1, similarity_matrix[i], 0.0))
        new_val = jnp.where(s > 0, 1, 0).astype(jnp.int32)
        return ss.at[i].set(jnp.where(active, new_val, ss[i]))

    set_seed = jax.lax.fori_loop(0, N, body, set_seed)
    mask = set_seed.reshape(Hd, Wd)

    # connected components (cv2.connectedComponents equivalent up to label renumbering)
    big = Hd * Wd + 2
    init_labels = jnp.where(mask > 0, jnp.arange(1, Hd * Wd + 1, dtype=jnp.int32).reshape(Hd, Wd), 0)

    def cc_body(_, lab):
        l = jnp.where(mask > 0, lab, big)
        up = jnp.pad(l, ((1, 0), (0, 0)), constant_values=big)[:-1, :]
        down = jnp.pad(l, ((0, 1), (0, 0)), constant_values=big)[1:, :]
        left = jnp.pad(l, ((0, 0), (1, 0)), constant_values=big)[:, :-1]
        right = jnp.pad(l, ((0, 0), (0, 1)), constant_values=big)[:, 1:]
        m = jnp.minimum(jnp.minimum(l, up), jnp.minimum(left, jnp.minimum(right, down)))
        return jnp.where(mask > 0, m, 0)

    labels = jax.lax.fori_loop(0, Hd + Wd, cc_body, init_labels)
    return labels

def setup_inputs(seed: int = 0):
    key = jax.random.key(seed)
    k1, k2 = jax.random.split(key)
    img = jax.random.normal(k1, (1, 3, 512, 512), dtype=jnp.float32)
    W = jax.random.normal(k2, (PATCH * PATCH * 3, 384), dtype=jnp.float32) * 0.02
    return {"img": img, "W": W}

def reference(img, W):
    return _lost_forward(img, W)

if __name__ == "__main__":
    import jax
    _d = setup_inputs()
    print(jax.jit(kernel)(*tuple(_d.values())))

</pallas_src>

<mosaic_0001>
module attributes {stable_mosaic.version = 14 : i64} {
  func.func @body(%arg0: memref<1024x768xf32, #tpu.memory_space<vmem>>, %arg1: memref<1024x1xf32, #tpu.memory_space<vmem>>) attributes {dimension_semantics = [], scalar_prefetch = 0 : i64, scratch_operands = 0 : i64, tpu.core_type = #tpu.core_type<tc>} {
    %get3A = arith.constant 0 : index
    %get3A_0 = arith.constant 0 : index
    %get3A_1 = vector.load %arg0[%get3A, %get3A_0] : memref<1024x768xf32, #tpu.memory_space<vmem>>, vector<1024x768xf32>
    %reduce_sum3A = arith.constant dense<0.000000e+00> : vector<1024xf32>
    %reduce_sum3A_2 = vector.multi_reduction <add>, %get3A_1, %reduce_sum3A [1] : vector<1024x768xf32> to vector<1024xf32>
    %broadcast_in_dim3A = vector.shape_cast %reduce_sum3A_2 : vector<1024xf32> to vector<1024x1xf32>
    %swap3A = arith.constant 0 : index
    %swap3A_3 = arith.constant 0 : index
    %swap3A_4 = vector.load %arg1[%swap3A, %swap3A_3] : memref<1024x1xf32, #tpu.memory_space<vmem>>, vector<1024x1xf32>
    tpu.vector_store %arg1[%swap3A, %swap3A_3], %broadcast_in_dim3A {strides = array<i32>} : memref<1024x1xf32, #tpu.memory_space<vmem>>, vector<1024x1xf32>,
    return
  }
}

</mosaic_0001>

<sc_bundles>
// kernel: gather_offload_async_start
scs
__scs_entry_jumppad:
0x0: {  	(pc) =	sbr.rel $0x88, $3  }
0x1: {  	(tag) =	ssettag $0x0;
	lr =	simm.s32 $0x1  }
0x2: {  	[smem:$0x3FA0] =	sst lr;
	_ =	strace $0xD0000000  }
0x3: {  	_ = 	snop  }
0x4: {  	_ = 	snop  }
0x5: {  	_ = 	snop  }
0x6: {  	_ = 	snop  }
0x7: {  	_ = 	snop  }
__scs_overlays_trampoline_lowered:
0x8: {  	[smem:$0x3FAF] =	sst s0  }
0x9: {  	[smem:$0x3FB0] =	sst s1  }
0xa: {  	[smem:$0x3FB1] =	sst s2  }
0xb: {  	[smem:$0x3FB2] =	sst s3  }
0xc: {  	[smem:$0x3FB3] =	sst s4  }
0xd: {  	[smem:$0x3FB4] =	sst s5  }
0xe: {  	[smem:$0x3FB5] =	sst s6  }
0xf: {  	[smem:$0x3FB6] =	sst s7  }
0x10: {  	[smem:$0x3FB7] =	sst s8  }
0x11: {  	[smem:$0x3FB8] =	sst s9;
	s0 =	simm.s32 @!p0 $0x0  }
0x12: {  	s1 =	sld [smem:$0x3F9E];
	s0 =	simm.s32 @p0 $0x1  }
0x13: {  	[smem:$0x3FB9] =	sst s0;
	s0 =	simm.s32 @!p1 $0x0  }
0x14: {  	s2 =	sld [smem:$0x3F9D];
	s0 =	simm.s32 @p1 $0x1  }
0x15: {  	[smem:$0x3FBA] =	sst s0;
	s0 =	simm.s32 @!p2 $0x0  }
0x16: {  	s3 =	sld [smem:$0x3FDB];
	s0 =	simm.s32 @p2 $0x1  }
0x17: {  	s4 =	simm.s32 $0x1BF5;
	[smem:$0x3FBC] =	sst s0  }
0x18: {  	s0 =	sld [smem:$0x3F9F];
	_ =	swait.ge [sflag:s4], $0x0  }
0x19: {  	s7 =	sld [smem:$0x3FA0]  }
0x1a: {  	s8 =	sadd.s32 $0xFFFFE003, lr  }
0x1b: {  	s9 =	sadd.s32 $0xFFFFFEF7, lr;
	s5 =	simm.s32 $0xFFFFFFFF;
	p2 =	slt.u32 s8, $0xFFFFF086  }
0x1c: {  	p1 =	slt.u32 s9, $0xF7A;
	s5 =	simm.s32 @!p2 $0x0  }
0x1d: {  	s5 =	simm.s32 @p1 $0x1;
	p0 =	seq.s32 s7, s2  }
0x1e: {  	s7 =	smul.u32 @!p0 $0xF7A, s2;
	p2 =	seq.s32 @!p0 s5, $0x0  }
0x1f: {  	s9 =	smul.u32 $0xF7A, s1;
	s8 =	simm.s32 @!p0 $0x1BF5;
	p2 =	por !p2, p0  }
0x20: {  	[sflag:s8] =	ssyncset.s32 @!p0 $0xFFFFF086;
	s6 =	sadd.s32 @!p0 s3, s7;
	s7 =	simm.s32 @!p0 $0x108  }
0x21: {  	s3 =	sadd.s32 s3, s9;
	s6 =	sadd.s32 @!p0 $0x88, s6;
	s7 =	simm.s32 @p2 $0x1082  }
0x22: {  	[simem:s7], [sflag:s8] =	dma.local @!p0 [hbm:s6], $0xF7A  }
0x23: {  	s9 =	sor.u32 $0xD0000000, s2;
	s6 =	simm.s32 $0x108;
	_ =	swait.ge @!p0 [sflag:s8], $0x0  }
0x24: {  	s3 =	sadd.s32 $0x88, s3;
	s6 =	simm.s32 @!p1 $0x1082;
	[sflag:s4] =	ssyncset.s32 $0xFFFFF086  }
0x25: {  	[simem:s6], [sflag:s4] =	dma.local [hbm:s3], $0xF7A  }
0x26: {  	[smem:$0x3FA0] =	sst s1;
	(tag) =	ssettag s2;
	_ =	strace s9  }
0x27: {  	s1 =	sld [smem:$0x3FB0]  }
0x28: {  	s2 =	sld [smem:$0x3FB1]  }
0x29: {  	s4 =	sld [smem:$0x3FB3]  }
0x2a: {  	p0 =	seq.s32 s5, $0x0;
	s5 =	sld [smem:$0x3FB4]  }
0x2b: {  	s6 =	sld [smem:$0x3FB5]  }
0x2c: {  	s7 =	sld [smem:$0x3FB6]  }
0x2d: {  	s3 =	simm.s32 $0x108;
	s8 =	sld [smem:$0x3FB7]  }
0x2e: {  	s3 =	simm.s32 @!p0 $0x1082;
	s9 =	sld [smem:$0x3FB8]  }
0x2f: {  	lr =	sadd.s32 s0, s3;
	s0 =	sld [smem:$0x3FAF]  }
0x30: {  	s3 =	sld [smem:$0x3FB2]  }
0x31: {  	[smem:$0x3FBB] =	sst s10  }
0x32: {  	s10 =	sld [smem:$0x3FB9];
	_ =	sdelay $0x3  }
0x33: {  	p0 =	seq.s32 s10, $0x1;
	s10 =	sld [smem:$0x3FBB];
	_ =	sdelay $0x3  }
0x34: {  	[smem:$0x3FBB] =	sst s10  }
0x35: {  	s10 =	sld [smem:$0x3FBA];
	_ =	sdelay $0x3  }
0x36: {  	p1 =	seq.s32 s10, $0x1;
	s10 =	sld [smem:$0x3FBB];
	_ =	sdelay $0x3  }
0x37: {  	[smem:$0x3FBB] =	sst s10  }
0x38: {  	s10 =	sld [smem:$0x3FBC]  }
0x39: {  	_ = 	snop;
	(pc) =	sbr.ind lr, $3  }
0x3a: {  	_ = 	snop  }
0x3b: {  	_ = 	snop  }
0x3c: {  	p2 =	seq.s32 s10, $0x1;
	s10 =	sld [smem:$0x3FBB]  }
0x3d: {  	_ =	shalt  }
0x3e: {  	_ =	shalt  }
0x3f: {  	_ =	shalt  }
0x40: {  	_ =	shalt  }
0x41: {  	_ =	shalt  }
0x42: {  	_ =	shalt  }
0x43: {  	_ =	shalt  }
0x44: {  	_ =	shalt  }
0x45: {  	_ =	shalt  }
0x46: {  	_ =	shalt  }
0x47: {  	_ =	shalt  }
0x48: {  	_ =	shalt  }
0x49: {  	_ =	shalt  }
0x4a: {  	_ =	shalt  }
0x4b: {  	_ =	shalt  }
0x4c: {  	_ =	shalt  }
0x4d: {  	_ =	shalt  }
0x4e: {  	_ =	shalt  }
0x4f: {  	_ =	shalt  }
0x50: {  	_ =	shalt  }
0x51: {  	_ =	shalt  }
0x52: {  	_ =	shalt  }
0x53: {  	_ =	shalt  }
0x54: {  	_ =	shalt  }
0x55: {  	_ =	shalt  }
0x56: {  	_ =	shalt  }
0x57: {  	_ =	shalt  }
0x58: {  	_ =	shalt  }
0x59: {  	_ =	shalt  }
0x5a: {  	_ =	shalt  }
0x5b: {  	_ =	shalt  }
0x5c: {  	_ =	shalt  }
0x5d: {  	_ =	shalt  }
0x5e: {  	_ =	shalt  }
0x5f: {  	_ =	shalt  }
0x60: {  	_ =	shalt  }
0x61: {  	_ =	shalt  }
0x62: {  	_ =	shalt  }
0x63: {  	_ =	shalt  }
0x64: {  	_ =	shalt  }
0x65: {  	_ =	shalt  }
0x66: {  	_ =	shalt  }
0x67: {  	_ =	shalt  }
0x68: {  	_ =	shalt  }
0x69: {  	_ =	shalt  }
0x6a: {  	_ =	shalt  }
0x6b: {  	_ =	shalt  }
0x6c: {  	_ =	shalt  }
0x6d: {  	_ =	shalt  }
0x6e: {  	_ =	shalt  }
0x6f: {  	_ =	shalt  }
0x70: {  	_ =	shalt  }
0x71: {  	_ =	shalt  }
0x72: {  	_ =	shalt  }
0x73: {  	_ =	shalt  }
0x74: {  	_ =	shalt  }
0x75: {  	_ =	shalt  }
0x76: {  	_ =	shalt  }
0x77: {  	_ =	shalt  }
0x78: {  	_ =	shalt  }
0x79: {  	_ =	shalt  }
0x7a: {  	_ =	shalt  }
0x7b: {  	_ =	shalt  }
0x7c: {  	_ =	shalt  }
0x7d: {  	_ =	shalt  }
0x7e: {  	_ =	shalt  }
0x7f: {  	_ =	shalt  }
0x80: {  	_ =	shalt  }
0x81: {  	_ =	shalt  }
0x82: {  	_ =	shalt  }
0x83: {  	_ =	shalt  }
0x84: {  	_ =	shalt  }
0x85: {  	_ =	shalt  }
0x86: {  	_ =	shalt  }
0x87: {  	_ =	shalt  }
.Lfunc_end0:
.L_simem_size_0:
called_computation_lowered:
.L_overlay_start_0:
0x88: {  	s2 =	sld [smem:$0x3FD9]  }
0x89: {  	s3 =	sld [smem:$0x3FFE];
	_ =	sdelay $0x1  }
0x8a: {  	s1 =	srdreg.scid  }
0x8b: {  	s0 =	sand.u32 $0x1, s1  }
0x8c: {  	s16 =	sshll.u32 s0, $0xA;
	s2 =	sadd.s32 s3, s2  }
0x8d: {  	s2 =	sadd.s32 s2, s16  }
0x8e: {  	[smem:$0x3FC7] =	sst s2  }
0x8f: {  	_ = 	snop  }
0x90: {  	(tm) =	ssettm $0x1  }
0x91: {  	s17 =	sld [smem:$0x3FFB];
	_ =	sdelay $0x3  }
0x92: {  	_ =	strace s17  }
0x93: {  	s2 =	sld [smem:$0x3FFC];
	_ =	sdelay $0x3  }
0x94: {  	_ =	strace s2  }
0x95: {  	s2 =	sld [smem:$0x3FFD];
	_ =	sdelay $0x3  }
0x96: {  	_ =	strace s2  }
0x97: {  	_ =	strace $0x8FFFFFFF  }
0x98: {  	s18 =	sld [smem:$0x3FDB];
	_ =	sdelay $0x1  }
0x99: {  	s19 =	simm.s32 $_scs_section_size  }
0x9a: {  	s4 =	simm.s32 $_size__tile_overlayer_lowered;
	s5 =	simm.s32 $_tile_overlayer_lowered  }
0x9b: {  	s22 =	simm.s32 $0x1BFF;
	s21 =	sshll.u32 s5, $0x1;
	s2 =	sadd.s32 s19, s18  }
0x9c: {  	s6 =	simm.s32 $0x0;
	s20 =	sshll.u32 s4, $0x1;
	s4 =	sadd.s32 s21, s2  }
0x9d: {  	[timem:s6], [sflag:s22] =	dma.local [hbm:s4], s20  }
0x9e: {  	_ =	swait.ge [sflag:s22], s20  }
0x9f: {  	s3 =	ssub.s32 $0x0, s20;
	[sflag:s22] =	ssyncset.done $0x0  }
0xa0: {  	[sflag:s22] =	ssyncadd.s32 s3;
	_ =	sdelay $0x1  }
0xa1: {  	s23 =	simm.s32 $0x1B8B  }
0xa2: {  	_ =	swait.ge [sflag:s23], $0x1  }
0xa3: {  	[sflag:s23] =	ssyncset.done $0x0  }
0xa4: {  	s25 =	simm.s32 $0x1B8E;
	s24 =	sld [smem:$0x3FFE];
	[sflag:s23] =	ssyncadd.s32 $0xFFFFFFFF  }
0xa5: {  	s26 =	simm.s32 $execute0_lowered;
	[smem:$0x3FD2] =	sst s25  }
0xa6: {  	s4 =	sshll.u32 s26, $0x1;
	_ =	strace $0x80000046;
	[dreg:$0x1] =	wrdreg $0xFFFFFFFF  }
0xa7: {  	s28 =	simm.s32 $_size_execute0_lowered;
	s2 =	sadd.s32 s2, s4;
	[dreg:$0x0] =	wrdreg $0x0  }
0xa8: {  	s4 =	sshll.u32 s28, $0x1;
	[dreg:$0x2] =	wrdreg s2  }
0xa9: {  	[dreg:$0x3] =	wrdreg s4  }
0xaa: {  	[dreg:$0x4] =	wrdreg $0xC0  }
0xab: {  	_ =	task [dreg:s6], $0x5FFFF  }
0xac: {  	[dreg:$0x1] =	wrdreg $0xFFFFFFFF  }
0xad: {  	[dreg:$0x0] =	wrdreg $0x60  }
0xae: {  	[dreg:$0x2] =	wrdreg s24  }
0xaf: {  	[dreg:$0x3] =	wrdreg $0x9  }
0xb0: {  	_ =	task.clear_ibuf [dreg:s6], $0x4FFFF;
	_ =	strace $0x90000046  }
0xb1: {  	s29 =	simm.s32 $0x9;
	_ =	strace $0x80000048  }
0xb2: {  	_ =	swait.ge [sflag:s29], $0x1  }
0xb3: {  	[sflag:s29] =	ssyncadd.s32 $0xFFFFFFFF  }
0xb4: {  	_ =	strace $0x90000048  }
0xb5: {  	_ =	sfence  }
0xb6: {  	s30 =	sld [smem:$0x0];
	_ =	sdelay $0x2  }
0xb7: {  	s31 =	sshll.u32 s1, $0xD;
	s1 =	sshrl.u32 s1, $0x2  }
0xb8: {  	s3 =	sand.u32 $0x4000, s31;
	s1 =	sadd.s32 s1, s30  }
0xb9: {  	s0 =	sor.u32 s3, s0;
	s1 =	sshll.u32 s1, $0x11  }
0xba: {  	s0 =	sor.u32 s1, s0  }
0xbb: {  	s0 =	sadd.s32 $0x8F2B, s0  }
0xbc: {  	[sflag:s0] =	ssyncadd.remote.s32 $0x1  }
0xbd: {  	_ =	sfence.sel $0xFFFF  }
0xbe: {  	[dreg:$0x0] =	wrdreg $0xFFFFFFFF;
	(pc) =	sbr.abs _section_cstart, $3  }
0xbf: {  	[dreg:$0x1] =	wrdreg $0xFFFFFFFF  }
0xc0: {  	_ =	task.clear_ibuf [dreg:s6], $0x2FFFF;
	_ =	strace $0x9FFFFFFF  }
0xc1: {  	(tm) =	ssettm $0x7FFFFFFF  }
tec
execute0_lowered:
.L_overlay_start_1:
0x0: {  	(tag) =	ssettag $0x1  }
0x1: {  	s0 =	srdreg.scid;
	s5 =	rddreg [dreg:$0x0]  }
0x2: {  	s1 =	stileid.u32;
	s6 =	simm.s32 $0x1;
	s9 =	simm.s32 $0x1  }
0x3: {  	s10 =	simm.s32 $0x3;
	s13 =	simm.s32 $0x0;
	s2 =	sshll.u32 s0, $0xE  }
0x4: {  	s12 =	simm.s32 $0x0;
	s3 =	sshll.u32 s1, $0xF;
	s2 =	sand.u32 $0x4000, s2  }
0x5: {  	s0 =	rddreg [dreg:$0x1];
	_ =	strace $0x80000047;
	s2 =	sor.u32 s3, s2  }
0x6: {  	s4 =	sadd.s32 $0x18200, s5;
	[sflag:s6] =	ssyncpa.u1 $0x0;
	s8 =	ssub.s32 $0xC0000, s2  }
.Ltmp0:
0x7: {  	s3 =	sadd.s32 $0x200, s5;
	s7 =	sand.u32 $0x7C000, s8;
	(pc) =	sbr.rel .LBB2_1-.Ltmp0, $4  }
0x8: {  	s5 =	sadd.s32 $0x30200, s5;
	s11 =	smov.u32 s2;
	p0 =	sne.s32 s7, $0x0  }
0x9: {  	s8 =	sshrl.u32 s8, $0x13;
	s7 =	simm.s32 $0x2;
	s9 =	simm.s32 @!p0 $0x0  }
0xa: {  	[sflag:s7] =	ssyncpa.u1 $0x0;
	p0 =	por $0x0, $0x0;
	s8 =	sadd.s32 s9, s8  }
0xb: {  	vm0 =	vmmov $0xffff;
	[sflag:s10] =	ssyncpa.u1 $0x0;
	s10 =	simm.s32 $0x0;
	s9 =	sadd.s32 $0x1, s8  }
.LBB2_4:
0xc: {  	v2 =	vnsel vm1, $0x0, v2  }
0xd: {  	vm1 =	vgt.s32 v0, $0x0;
	v2 =	vmin.u32 v2, $0xBFFFF  }
0xe: {  	v0 =	vnsel vm1, $0x0, v0  }
0xf: {  	v0 =	vmin.u32 v0, $0xBFFFF  }
0x10: {  	[tilespmem:s15], [sflag:$0x1] =	stream.indirect_vreg.gather [hbm4b:s3+s10], $0x1, v1, vm0, $0x4038;
	[tilespmem:$0x10000] =	vst v63  }
0x11: {  	(ifvalue) =	ssetifvalue $0x7FFFFFFF  }
0x12: {  	[tilespmem:s16], [sflag:$0x1] =	stream.indirect_vreg.gather [hbm4b:s3+s10], $0x1, v2, vm0, $0x4038;
	[tilespmem:$0x10000] =	vst v63  }
0x13: {  	s29 =	sadd.s32 $0x10, s16;
	(ifvalue) =	ssetifvalue $0x7FFFFFFF  }
0x14: {  	[tilespmem:s29], [sflag:$0x1] =	stream.indirect_vreg.gather [hbm4b:s3+s10], $0x1, v0, vm0, $0x4038;
	[tilespmem:$0x10000] =	vst v63  }
0x15: {  	_ =	swait.ge [sflag:s6], $0x4000  }
0x16: {  	s30 =	sshrl.u32 s13, $0x3;
	[sflag:s6] =	ssyncset.done $0x0  }
0x17: {  	s31 =	sand.u32 $0x7, s13;
	s15 =	sadd.s32 s5, s30;
	[sflag:s6] =	ssyncadd.s32 $0xFFFFC000  }
0x18: {  	[hbm4b:s15+s31] =	stream.linear.scatter [tilespmem:s14], [sflag:$0x3], $0x4000, $0x38;
	[tilespmem:$0x10000] =	vst v63  }
.LBB2_5:
0x19: {  	s15 =	sadd.s32 $0x80000, s11  }
0x1a: {  	p2 =	sgt.s32 s15, $0xBFFFF  }
0x1b: {  	s15 =	smov.u32 @p2 s2;
	p2 =	sne.s32 s12, s9  }
.Ltmp1:
0x1c: {  	p1 =	slt.u32 s12, $0x2;
	(pc) =	sbr.rel @!p2 .LBB2_6-.Ltmp1, $4  }
0x1d: {  	s14 =	simm.s32 @!p1 $0x3  }
0x1e: {  	s16 =	sadd.s32 $0x1, s12;
	_ =	swait.ge @!p1 [sflag:s14], $0x4000  }
0x1f: {  	s13 =	smov.u32 s11;
	p0 =	por !p0, !p0;
	[sflag:s14] =	ssyncset.done @!p1 $0x0  }
0x20: {  	s12 =	smov.u32 s16;
	s11 =	smov.u32 s15;
	[sflag:s14] =	ssyncadd.s32 @!p1 $0xFFFFC000  }
.LBB2_1:
0x21: {  	p1 =	sge.u32 s12, s8  }
0x22: {  	s14 =	sxor.u32 @!p1 $0xFFFFFFFF, s12  }
0x23: {  	s31 =	sadd.s32 $0xFFFFFFFF, s12;
	s15 =	sshrl.u32 @!p1 s11, $0x3;
	s14 =	sshll.u32 @!p1 s14, $0xE  }
0x24: {  	s16 =	sand.u32 @!p1 $0x7, s11;
	s15 =	sadd.s32 @!p1 s4, s15;
	s14 =	sand.u32 @!p1 $0x4000, s14  }
0x25: {  	[tilespmem:s14], [sflag:$0x2] =	stream.linear.gather @!p1 [hbm4b:s15+s16], $0x4000, $0x38;
	[tilespmem:$0x10000] =	vst v63  }
0x26: {  	p1 =	sge.u32 s31, s8  }
.Ltmp2:
0x27: {  	_ = 	snop;
	(pc) =	sbr.rel @p1 .LBB2_5-.Ltmp2, $1  }
0x28: {  	_ =	sdelay $0x3  }
0x29: {  	s14 =	simm.s32 $0x1  }
0x2a: {  	_ =	swait.ge [sflag:s7], $0x4000;
	s14 =	simm.s32 @!p0 $0x0  }
0x2b: {  	[sflag:s7] =	ssyncset.done $0x0;
	s14 =	sshll.u32 s14, $0xE  }
0x2c: {  	[sflag:s7] =	ssyncadd.s32 $0xFFFFC000;
	(ifvalue) =	ssetifvalue $0x7FFFFFFF;
	v0 =	vld.msk [tilespmem:s14+$0x0 ss:$0x1], $0xffff;
	_ =	sdelay $0x4  }
0x2d: {  	s15 =	sadd.s32 $0x10, s14;
	vm1 =	vgt.s32 v0, $0x0  }
0x2e: {  	v2 =	vld.msk [tilespmem:s15+$0x0 ss:$0x1], $0xffff;
	v1 =	vnsel vm1, $0x0, v0  }
0x2f: {  	v1 =	vmin.u32 v1, $0xBFFFF;
	_ =	sdelay $0x1  }
0x30: {  	s16 =	sshll.u32 s12, $0xE;
	s18 =	simm.s32 $0x20  }
0x31: {  	s16 =	sand.u32 $0x4000, s16;
	s17 =	sadd.s32 $0x10, s15;
	s15 =	sor.u32 $0x8000, s14  }
0x32: {  	s14 =	sor.u32 $0x8000, s16;
	s16 =	sadd.s32 $0x10, s15;
	v0 =	vld.msk [tilespmem:s17+$0x0 ss:$0x1], $0xffff;
	vm1 =	vgt.s32 v2, $0x0;
	(ifvalue) =	ssetifvalue $0x7FFFFFFF  }
.LBB2_3:
0x33: {  	[tilespmem:s15], [sflag:$0x1] =	stream.indirect_vreg.gather [hbm4b:s3+s10], $0x1, v1, vm0, $0x4038;
	[tilespmem:$0x10000] =	vst v63  }
0x34: {  	s18 =	sadd.s32 $0x10, s18  }
0x35: {  	v2 =	vnsel vm1, $0x0, v2;
	p1 =	slt.u32 s18, $0x3FF0  }
.Ltmp3:
0x36: {  	s15 =	smov.u32 s16;
	v1 =	vmin.u32 v2, $0xBFFFF;
	(pc) =	sbr.rel @p1 .LBB2_3-.Ltmp3, $3  }
0x37: {  	_ =	sdelay $0x1  }
0x38: {  	s17 =	sadd.s32 $0x10, s17  }
0x39: {  	vm1 =	vgt.s32 v0, $0x0;
	s16 =	sadd.s32 $0x10, s16;
	v2 =	vmov v0;
	(ifvalue) =	ssetifvalue $0x7FFFFFFF;
	v0 =	vld.msk [tilespmem:s17+$0x0 ss:$0x1], $0xffff  }
.Ltmp4:
0x3a: {  	_ = 	snop;
	(pc) =	sbr.rel .LBB2_4-.Ltmp4, $1  }
0x3b: {  	_ =	sdelay $0x3  }
.LBB2_6:
0x3c: {  	_ =	sfence.sel $0x180000  }
0x3d: {  	s2 =	simm.s32 $0x2;
	[bflag:$0x0] =	sbarrier.arrive $0xFFFF  }
0x3e: {  	s30 =	simm.s32 $0x3;
	[sflag:s2] =	ssyncpa.u1 $0x1  }
0x3f: {  	s31 =	simm.s32 $0x1;
	[sflag:s30] =	ssyncpa.u1 $0x1  }
0x40: {  	[sflag:s31] =	ssyncpa.u1 $0x1  }
0x41: {  	p0 =	sne.s32 s1, $0x0;
	_ =	strace $0x90000047  }
0x42: {  	s0 =	sadd.s32 @!p0 $0x100000, s0;
	[bflag:$0x2] =	sbarrier.arrive $0xFFFF  }
0x43: {  	[sflag:s0] =	ssyncadd.tile.s32 @!p0 $0x1;
	_ =	shalt  }
.Lfunc_end2:
_tile_overlayer_lowered:
.L_overlay_start_2:
0x44: {  	(tag) =	ssettag $0x2  }
0x45: {  	s0 =	rddreg [dreg:$0x0];
	s2 =	stileid.u32  }
0x46: {  	s1 =	rddreg [dreg:$0x1];
	p0 =	sne.s32 s2, $0x0  }
0x47: {  	s3 =	rddreg [dreg:$0x2];
	[bflag:$0x3] =	sbarrier.arrive $0xFFFF;
	s2 =	simm.s32 @!p0 $0x1C01  }
0x48: {  	[timem:s3], [sflag:s2] =	dma.local @!p0 [hbm:s0], s1  }
0x49: {  	s0 =	simm.s32 @!p0 $0x1  }
0x4a: {  	_ =	swait.ge @!p0 [sflag:s0], s1  }
0x4b: {  	s1 =	ssub.s32 @!p0 $0x0, s1;
	[sflag:s0] =	ssyncset.done @!p0 $0x0  }
0x4c: {  	[sflag:s0] =	ssyncadd.s32 @!p0 s1  }
0x4d: {  	[bflag:$0x3] =	sbarrier.arrive $0xFFFF  }
0x4e: {  	_ =	shalt  }

</sc_bundles>
